<compile_context>
chip_gen: v7x
topology: tpu7x:2x2x1
jax: 0.10.2.dev20260603
libtpu: 0.0.44.dev20260713+nightly
codegen_flags: <defaults>
</compile_context>

<pallas_src>
import functools

import jax
import jax.numpy as jnp
from jax import lax
from jax.experimental import pallas as pl
from jax.experimental.pallas import tpu as pltpu
from jax.experimental.pallas import tpu_sc as plsc


def _make_sc_gather(n_ids, emb, dtype):
    info = plsc.get_sparse_core_info()
    nc, ns = info.num_cores, info.num_subcores
    nw = nc * ns
    assert n_ids % (8 * nw) == 0
    b_per_w = n_ids // nw
    chunk = min(128, b_per_w)
    nch = b_per_w // chunk
    mesh = plsc.VectorSubcoreMesh(core_axis_name="c", subcore_axis_name="s")

    @functools.partial(
        pl.kernel,
        mesh=mesh,
        out_type=jax.ShapeDtypeStruct((n_ids, emb), dtype),
        scratch_types=[
            pltpu.VMEM((b_per_w,), jnp.int32),
            pltpu.VMEM((b_per_w, emb), dtype),
            [pltpu.SemaphoreType.DMA for _ in range(nch)],
            pltpu.SemaphoreType.DMA,
        ],
    )
    def gather(idx_hbm, table_hbm, out_hbm, idx_v, rows_v, gsems, wsem):
        wid = lax.axis_index("s") * nc + lax.axis_index("c")
        base = wid * b_per_w
        pltpu.sync_copy(idx_hbm.at[pl.ds(base, b_per_w)], idx_v)
        gathers = [
            pltpu.async_copy(
                table_hbm.at[idx_v.at[pl.ds(j * chunk, chunk)]],
                rows_v.at[pl.ds(j * chunk, chunk)],
                gsems[j],
            )
            for j in range(nch)
        ]
        writes = []
        for j in range(nch):
            gathers[j].wait()
            writes.append(
                pltpu.async_copy(
                    rows_v.at[pl.ds(j * chunk, chunk)],
                    out_hbm.at[pl.ds(base + j * chunk, chunk)],
                    wsem,
                )
            )
        for w in writes:
            w.wait()

    return gather


def _tc_body(g_ref, pos_ref, tok_ref, wt_ref, b_ref, lnw_ref, lnb_ref, out_ref,
             c_ref):
    @pl.when(pl.program_id(0) == 0)
    def _():
        c_ref[...] = (
            lnw_ref[...] * (pos_ref[...] + tok_ref[0:1, :] + b_ref[...])
            + lnb_ref[...]
        )

    g = g_ref[0].astype(jnp.bfloat16)
    s = g.shape[0]
    zero = jnp.zeros((), jnp.bfloat16)
    rows = lax.broadcasted_iota(jnp.int32, g.shape, 0)
    g_next = jnp.where(rows < s - 1, jnp.roll(g, -1, axis=0), zero)
    g_prev = jnp.where(rows > 0, jnp.roll(g, 1, axis=0), zero)
    trig = jnp.concatenate([g_next, g, g_prev], axis=1)
    x = lax.dot_general(
        trig,
        wt_ref[...],
        (((1,), (0,)), ((), ())),
        preferred_element_type=jnp.float32,
    )
    out_ref[0] = x + c_ref[...]


def kernel(input_ids, word_emb, pos_emb, tok_type_emb, W, b, ln_weight, ln_bias):
    bsz, seq = input_ids.shape
    vocab, emb = word_emb.shape
    hid = W.shape[0]
    n_ids = bsz * seq

    ids_flat = input_ids.reshape(n_ids).astype(jnp.int32)
    g = _make_sc_gather(n_ids, emb, word_emb.dtype)(ids_flat, word_emb)
    g = g.reshape(bsz, seq, emb)
    wt = (W.T * ln_weight[None, :]).astype(jnp.bfloat16)

    out = pl.pallas_call(
        _tc_body,
        grid=(bsz,),
        in_specs=[
            pl.BlockSpec((1, seq, emb), lambda i: (i, 0, 0)),
            pl.BlockSpec((seq, hid), lambda i: (0, 0)),
            pl.BlockSpec((2, hid), lambda i: (0, 0)),
            pl.BlockSpec((3 * emb, hid), lambda i: (0, 0)),
            pl.BlockSpec((1, hid), lambda i: (0, 0)),
            pl.BlockSpec((1, hid), lambda i: (0, 0)),
            pl.BlockSpec((1, hid), lambda i: (0, 0)),
        ],
        out_specs=pl.BlockSpec((1, seq, hid), lambda i: (i, 0, 0)),
        out_shape=jax.ShapeDtypeStruct((bsz, seq, hid), jnp.float32),
        scratch_shapes=[pltpu.VMEM((seq, hid), jnp.float32)],
    )(
        g,
        pos_emb[:seq],
        tok_type_emb,
        wt,
        b.reshape(1, hid),
        ln_weight.reshape(1, hid),
        ln_bias.reshape(1, hid),
    )
    return out

# --- scband reference (transcript-rebuilt; emitter-appended) ---
"""Pipeline reference for scband-bert-embeddings-89094801588841 (READ-ONLY COPY).

The authoritative reference and input builder live on the scoring server;
editing this copy changes nothing except your own understanding.
"""

import jax, jax.numpy as jnp
import numpy as np

VOCAB = 100000
EMB = 128
HID = 1024
MAXPOS = 2048
B, S = 4, 2048


def setup_inputs(seed: int = 0) -> dict:
    key = jax.random.key(seed)
    ks = jax.random.split(key, 6)
    input_ids = jax.random.randint(ks[0], (B, S), 0, VOCAB)
    word_emb = jax.random.normal(ks[1], (VOCAB, EMB), dtype=jnp.float32) * 0.02
    pos_emb = jax.random.normal(ks[2], (MAXPOS, HID), dtype=jnp.float32) * 0.02
    tok_type_emb = jax.random.normal(ks[3], (2, HID), dtype=jnp.float32) * 0.02
    W = jax.random.normal(ks[4], (HID, EMB * 3), dtype=jnp.float32) * 0.02  # torch Linear weight [out,in]
    b = jnp.zeros((HID,), dtype=jnp.float32)
    ln_weight = jnp.ones((HID,), dtype=jnp.float32)
    ln_bias = jnp.zeros((HID,), dtype=jnp.float32)
    return {
        'input_ids': input_ids,
        'word_emb': word_emb,
        'pos_emb': pos_emb,
        'tok_type_emb': tok_type_emb,
        'W': W,
        'b': b,
        'ln_weight': ln_weight,
        'ln_bias': ln_bias,
    }


def reference(input_ids, word_emb, pos_emb, tok_type_emb, W, b, ln_weight, ln_bias):
    bsz, seq = input_ids.shape
    # word embedding lookup (gather)
    inputs = jnp.take(word_emb, input_ids, axis=0)  # [B, S, EMB]
    # trigram_input: shifted concatenation
    inputs1 = jnp.pad(inputs[:, 1:], ((0, 0), (0, 1), (0, 0)))   # shift left, pad end
    inputs2 = jnp.pad(inputs[:, :-1], ((0, 0), (1, 0), (0, 0)))  # shift right, pad front
    trig = jnp.concatenate((inputs1, inputs, inputs2), axis=2)   # [B, S, 3*EMB]
    # embedding_transformation: Linear(3*EMB -> HID)
    x = jnp.einsum('bsd,hd->bsh', trig, W) + b                   # [B, S, HID]
    # position embeddings: position_ids = arange(seq)
    pos = jnp.take(pos_emb, jnp.arange(seq), axis=0)[None, :, :]  # [1, S, HID]
    # token_type_ids default zeros
    tok_ids = jnp.zeros((bsz, seq), dtype=jnp.int32)
    tok = jnp.take(tok_type_emb, tok_ids, axis=0)                # [B, S, HID]
    embeddings = x + pos + tok
    # FakeBertLayerNorm: elementwise affine only
    embeddings = ln_weight * embeddings + ln_bias
    # dropout is identity in eval mode
    return embeddings

if __name__ == "__main__":
    import jax
    _d = setup_inputs()
    print(jax.jit(kernel)(*tuple(_d.values())))

</pallas_src>

<mosaic_0001>
#map = affine_map<(d0, d1) -> (0)>
#map1 = affine_map<(d0, d1) -> (0, 0)>
module attributes {stable_mosaic.version = 14 : i64} {
  func.func @gather(%arg0: i32, %arg1: i32, %arg2: memref<8192xi32, #tpu.memory_space<hbm>>, %arg3: memref<100000x128xf32, #tpu.memory_space<hbm>>, %arg4: memref<8192x128xf32, #tpu.memory_space<hbm>>, %arg5: memref<256xi32, #tpu.memory_space<vmem>>, %arg6: memref<256x128xf32, #tpu.memory_space<vmem>>, %arg7: memref<!tpu.dma_semaphore, #tpu.memory_space<semaphore_mem>>, %arg8: memref<!tpu.dma_semaphore, #tpu.memory_space<semaphore_mem>>, %arg9: memref<!tpu.dma_semaphore, #tpu.memory_space<semaphore_mem>>) attributes {dimension_semantics = [#tpu.dimension_semantics<core_parallel>, #tpu.dimension_semantics<subcore_parallel>], iteration_bounds = array<i64: 2, 16>, scalar_prefetch = 0 : i64, scratch_operands = 5 : i64, tpu.core_type = #tpu.core_type<sc_vector_subcore>, window_params = [{transform_indices = #map}, {transform_indices = #map1}, {transform_indices = #map1}]} {
    %mul3A = arith.constant 2 : i32
    %mul3A_0 = arith.muli %arg1, %mul3A : i32
    %add3A = arith.addi %mul3A_0, %arg0 : i32
    %mul3A_1 = arith.constant 256 : i32
    %mul3A_2 = arith.muli %add3A, %mul3A_1 : i32
    "tpu.region"() ({
      %run_scoped3A = tpu.sem_alloc : memref<!tpu.dma_semaphore, #tpu.memory_space<semaphore_mem>>
      %dma_start3A_77 = tpu.memref_slice %arg2[%mul3A_2] : memref<8192xi32, #tpu.memory_space<hbm>> -> memref<256xi32, #tpu.memory_space<hbm>>
      %dma_start3A_78 = tpu.memref_slice %arg2[%mul3A_2] : memref<8192xi32, #tpu.memory_space<hbm>> -> memref<256xi32, #tpu.memory_space<hbm>>
      tpu.enqueue_dma source(%dma_start3A_78 : memref<256xi32, #tpu.memory_space<hbm>>) target(%arg5 : memref<256xi32, #tpu.memory_space<vmem>>) target_semaphore(%run_scoped3A : memref<!tpu.dma_semaphore, #tpu.memory_space<semaphore_mem>>)
      %dma_wait3A_79 = tpu.memref_slice %arg2[%mul3A_2] : memref<8192xi32, #tpu.memory_space<hbm>> -> memref<256xi32, #tpu.memory_space<hbm>>
      %dma_wait3A_80 = tpu.memref_slice %arg2[%mul3A_2] : memref<8192xi32, #tpu.memory_space<hbm>> -> memref<256xi32, #tpu.memory_space<hbm>>
      tpu.wait_dma2 semaphore(%run_scoped3A : memref<!tpu.dma_semaphore, #tpu.memory_space<semaphore_mem>>) src(%dma_wait3A_80 : memref<256xi32, #tpu.memory_space<hbm>>) dst(%arg5 : memref<256xi32, #tpu.memory_space<vmem>>)
      tpu.yield
    }) : () -> ()
    %dma_start3A = arith.constant 0 : i32
    %dma_start3A_3 = arith.constant 0 : i32
    %dma_start3A_4 = tpu.memref_slice %arg6[%dma_start3A, %dma_start3A_3] : memref<256x128xf32, #tpu.memory_space<vmem>> -> memref<128x128xf32, #tpu.memory_space<vmem>>
    %dma_start3A_5 = arith.constant 0 : i32
    %dma_start3A_6 = tpu.memref_slice %arg5[%dma_start3A_5] : memref<256xi32, #tpu.memory_space<vmem>> -> memref<128xi32, #tpu.memory_space<vmem>>
    %dma_start3A_7 = arith.constant 0 : i32
    %dma_start3A_8 = arith.constant 0 : i32
    %dma_start3A_9 = tpu.memref_slice %arg3[%dma_start3A_7, %dma_start3A_8] : memref<100000x128xf32, #tpu.memory_space<hbm>> -> memref<100000x128xf32, #tpu.memory_space<hbm>>
    tpu.enqueue_indirect_dma source(%dma_start3A_9 : memref<100000x128xf32, #tpu.memory_space<hbm>>) target(%dma_start3A_4 : memref<128x128xf32, #tpu.memory_space<vmem>>) offsets(%dma_start3A_6 : memref<128xi32, #tpu.memory_space<vmem>>) semaphore(%arg7 : memref<!tpu.dma_semaphore, #tpu.memory_space<semaphore_mem>>)
    %dma_start3A_10 = arith.constant 128 : i32
    %dma_start3A_11 = arith.constant 0 : i32
    %dma_start3A_12 = tpu.memref_slice %arg6[%dma_start3A_10, %dma_start3A_11] : memref<256x128xf32, #tpu.memory_space<vmem>> -> memref<128x128xf32, #tpu.memory_space<vmem>>
    %dma_start3A_13 = arith.constant 128 : i32
    %dma_start3A_14 = tpu.memref_slice %arg5[%dma_start3A_13] : memref<256xi32, #tpu.memory_space<vmem>> -> memref<128xi32, #tpu.memory_space<vmem>>
    %dma_start3A_15 = arith.constant 0 : i32
    %dma_start3A_16 = arith.constant 0 : i32
    %dma_start3A_17 = tpu.memref_slice %arg3[%dma_start3A_15, %dma_start3A_16] : memref<100000x128xf32, #tpu.memory_space<hbm>> -> memref<100000x128xf32, #tpu.memory_space<hbm>>
    tpu.enqueue_indirect_dma source(%dma_start3A_17 : memref<100000x128xf32, #tpu.memory_space<hbm>>) target(%dma_start3A_12 : memref<128x128xf32, #tpu.memory_space<vmem>>) offsets(%dma_start3A_14 : memref<128xi32, #tpu.memory_space<vmem>>) semaphore(%arg8 : memref<!tpu.dma_semaphore, #tpu.memory_space<semaphore_mem>>)
    %dma_wait3A = arith.constant 0 : i32
    %dma_wait3A_18 = arith.constant 0 : i32
    %dma_wait3A_19 = tpu.memref_slice %arg6[%dma_wait3A, %dma_wait3A_18] : memref<256x128xf32, #tpu.memory_space<vmem>> -> memref<128x128xf32, #tpu.memory_space<vmem>>
    %dma_wait3A_20 = arith.constant 0 : i32
    %dma_wait3A_21 = tpu.memref_slice %arg5[%dma_wait3A_20] : memref<256xi32, #tpu.memory_space<vmem>> -> memref<128xi32, #tpu.memory_space<vmem>>
    %dma_wait3A_22 = arith.constant 0 : i32
    %dma_wait3A_23 = arith.constant 0 : i32
    %dma_wait3A_24 = tpu.memref_slice %arg3[%dma_wait3A_22, %dma_wait3A_23] : memref<100000x128xf32, #tpu.memory_space<hbm>> -> memref<100000x128xf32, #tpu.memory_space<hbm>>
    tpu.wait_indirect_dma semaphore(%arg7 : memref<!tpu.dma_semaphore, #tpu.memory_space<semaphore_mem>>) src(%dma_wait3A_24 : memref<100000x128xf32, #tpu.memory_space<hbm>>) dst(%dma_wait3A_19 : memref<128x128xf32, #tpu.memory_space<vmem>>)
    %add3A_25 = arith.constant 0 : i32
    %add3A_26 = arith.addi %mul3A_2, %add3A_25 : i32
    %dma_start3A_27 = arith.constant 0 : i32
    %dma_start3A_28 = arith.constant 0 : i32
    %dma_start3A_29 = tpu.memref_slice %arg6[%dma_start3A_27, %dma_start3A_28] : memref<256x128xf32, #tpu.memory_space<vmem>> -> memref<128x128xf32, #tpu.memory_space<vmem>>
    %dma_start3A_30 = arith.constant 0 : i32
    %dma_start3A_31 = tpu.memref_slice %arg4[%add3A_26, %dma_start3A_30] : memref<8192x128xf32, #tpu.memory_space<hbm>> -> memref<128x128xf32, #tpu.memory_space<hbm>>
    %dma_start3A_32 = arith.constant 0 : i32
    %dma_start3A_33 = tpu.memref_slice %arg4[%add3A_26, %dma_start3A_32] : memref<8192x128xf32, #tpu.memory_space<hbm>> -> memref<128x128xf32, #tpu.memory_space<hbm>>
    %dma_start3A_34 = arith.constant 0 : i32
    %dma_start3A_35 = arith.constant 0 : i32
    %dma_start3A_36 = tpu.memref_slice %arg6[%dma_start3A_34, %dma_start3A_35] : memref<256x128xf32, #tpu.memory_space<vmem>> -> memref<128x128xf32, #tpu.memory_space<vmem>>
    tpu.enqueue_dma source(%dma_start3A_36 : memref<128x128xf32, #tpu.memory_space<vmem>>) target(%dma_start3A_33 : memref<128x128xf32, #tpu.memory_space<hbm>>) target_semaphore(%arg9 : memref<!tpu.dma_semaphore, #tpu.memory_space<semaphore_mem>>)
    %dma_wait3A_37 = arith.constant 128 : i32
    %dma_wait3A_38 = arith.constant 0 : i32
    %dma_wait3A_39 = tpu.memref_slice %arg6[%dma_wait3A_37, %dma_wait3A_38] : memref<256x128xf32, #tpu.memory_space<vmem>> -> memref<128x128xf32, #tpu.memory_space<vmem>>
    %dma_wait3A_40 = arith.constant 128 : i32
    %dma_wait3A_41 = tpu.memref_slice %arg5[%dma_wait3A_40] : memref<256xi32, #tpu.memory_space<vmem>> -> memref<128xi32, #tpu.memory_space<vmem>>
    %dma_wait3A_42 = arith.constant 0 : i32
    %dma_wait3A_43 = arith.constant 0 : i32
    %dma_wait3A_44 = tpu.memref_slice %arg3[%dma_wait3A_42, %dma_wait3A_43] : memref<100000x128xf32, #tpu.memory_space<hbm>> -> memref<100000x128xf32, #tpu.memory_space<hbm>>
    tpu.wait_indirect_dma semaphore(%arg8 : memref<!tpu.dma_semaphore, #tpu.memory_space<semaphore_mem>>) src(%dma_wait3A_44 : memref<100000x128xf32, #tpu.memory_space<hbm>>) dst(%dma_wait3A_39 : memref<128x128xf32, #tpu.memory_space<vmem>>)
    %add3A_45 = arith.constant 128 : i32
    %add3A_46 = arith.addi %mul3A_2, %add3A_45 : i32
    %dma_start3A_47 = arith.constant 128 : i32
    %dma_start3A_48 = arith.constant 0 : i32
    %dma_start3A_49 = tpu.memref_slice %arg6[%dma_start3A_47, %dma_start3A_48] : memref<256x128xf32, #tpu.memory_space<vmem>> -> memref<128x128xf32, #tpu.memory_space<vmem>>
    %dma_start3A_50 = arith.constant 0 : i32
    %dma_start3A_51 = tpu.memref_slice %arg4[%add3A_46, %dma_start3A_50] : memref<8192x128xf32, #tpu.memory_space<hbm>> -> memref<128x128xf32, #tpu.memory_space<hbm>>
    %dma_start3A_52 = arith.constant 0 : i32
    %dma_start3A_53 = tpu.memref_slice %arg4[%add3A_46, %dma_start3A_52] : memref<8192x128xf32, #tpu.memory_space<hbm>> -> memref<128x128xf32, #tpu.memory_space<hbm>>
    %dma_start3A_54 = arith.constant 128 : i32
    %dma_start3A_55 = arith.constant 0 : i32
    %dma_start3A_56 = tpu.memref_slice %arg6[%dma_start3A_54, %dma_start3A_55] : memref<256x128xf32, #tpu.memory_space<vmem>> -> memref<128x128xf32, #tpu.memory_space<vmem>>
    tpu.enqueue_dma source(%dma_start3A_56 : memref<128x128xf32, #tpu.memory_space<vmem>>) target(%dma_start3A_53 : memref<128x128xf32, #tpu.memory_space<hbm>>) target_semaphore(%arg9 : memref<!tpu.dma_semaphore, #tpu.memory_space<semaphore_mem>>)
    %dma_wait3A_57 = arith.constant 0 : i32
    %dma_wait3A_58 = arith.constant 0 : i32
    %dma_wait3A_59 = tpu.memref_slice %arg6[%dma_wait3A_57, %dma_wait3A_58] : memref<256x128xf32, #tpu.memory_space<vmem>> -> memref<128x128xf32, #tpu.memory_space<vmem>>
    %dma_wait3A_60 = arith.constant 0 : i32
    %dma_wait3A_61 = tpu.memref_slice %arg4[%add3A_26, %dma_wait3A_60] : memref<8192x128xf32, #tpu.memory_space<hbm>> -> memref<128x128xf32, #tpu.memory_space<hbm>>
    %dma_wait3A_62 = arith.constant 0 : i32
    %dma_wait3A_63 = tpu.memref_slice %arg4[%add3A_26, %dma_wait3A_62] : memref<8192x128xf32, #tpu.memory_space<hbm>> -> memref<128x128xf32, #tpu.memory_space<hbm>>
    %dma_wait3A_64 = arith.constant 0 : i32
    %dma_wait3A_65 = arith.constant 0 : i32
    %dma_wait3A_66 = tpu.memref_slice %arg6[%dma_wait3A_64, %dma_wait3A_65] : memref<256x128xf32, #tpu.memory_space<vmem>> -> memref<128x128xf32, #tpu.memory_space<vmem>>
    tpu.wait_dma2 semaphore(%arg9 : memref<!tpu.dma_semaphore, #tpu.memory_space<semaphore_mem>>) src(%dma_wait3A_66 : memref<128x128xf32, #tpu.memory_space<vmem>>) dst(%dma_wait3A_63 : memref<128x128xf32, #tpu.memory_space<hbm>>)
    %dma_wait3A_67 = arith.constant 128 : i32
    %dma_wait3A_68 = arith.constant 0 : i32
    %dma_wait3A_69 = tpu.memref_slice %arg6[%dma_wait3A_67, %dma_wait3A_68] : memref<256x128xf32, #tpu.memory_space<vmem>> -> memref<128x128xf32, #tpu.memory_space<vmem>>
    %dma_wait3A_70 = arith.constant 0 : i32
    %dma_wait3A_71 = tpu.memref_slice %arg4[%add3A_46, %dma_wait3A_70] : memref<8192x128xf32, #tpu.memory_space<hbm>> -> memref<128x128xf32, #tpu.memory_space<hbm>>
    %dma_wait3A_72 = arith.constant 0 : i32
    %dma_wait3A_73 = tpu.memref_slice %arg4[%add3A_46, %dma_wait3A_72] : memref<8192x128xf32, #tpu.memory_space<hbm>> -> memref<128x128xf32, #tpu.memory_space<hbm>>
    %dma_wait3A_74 = arith.constant 128 : i32
    %dma_wait3A_75 = arith.constant 0 : i32
    %dma_wait3A_76 = tpu.memref_slice %arg6[%dma_wait3A_74, %dma_wait3A_75] : memref<256x128xf32, #tpu.memory_space<vmem>> -> memref<128x128xf32, #tpu.memory_space<vmem>>
    tpu.wait_dma2 semaphore(%arg9 : memref<!tpu.dma_semaphore, #tpu.memory_space<semaphore_mem>>) src(%dma_wait3A_76 : memref<128x128xf32, #tpu.memory_space<vmem>>) dst(%dma_wait3A_73 : memref<128x128xf32, #tpu.memory_space<hbm>>)
    return
  }
}

module attributes {stable_mosaic.version = 14 : i64} {
  func.func @_tc_body(%arg0: i32, %arg1: memref<1x2048x128xf32, #tpu.memory_space<vmem>>, %arg2: memref<2048x1024xf32, #tpu.memory_space<vmem>>, %arg3: memref<2x1024xf32, #tpu.memory_space<vmem>>, %arg4: memref<384x1024xbf16, #tpu.memory_space<vmem>>, %arg5: memref<1x1024xf32, #tpu.memory_space<vmem>>, %arg6: memref<1x1024xf32, #tpu.memory_space<vmem>>, %arg7: memref<1x1024xf32, #tpu.memory_space<vmem>>, %arg8: memref<1x2048x1024xf32, #tpu.memory_space<vmem>>, %arg9: memref<2048x1024xf32, #tpu.memory_space<vmem>>) attributes {dimension_semantics = [#tpu.dimension_semantics<arbitrary>], iteration_bounds = array<i64: 4>, scalar_prefetch = 0 : i64, scratch_operands = 1 : i64, tpu.core_type = #tpu.core_type<tc>, window_params = [{transform_indices = @transform_0, window_bounds = array<i64: 1, 2048, 128>}, {pipeline_mode = #tpu.pipeline_mode<synchronous>, transform_indices = @transform_1, window_bounds = array<i64: 2048, 1024>}, {pipeline_mode = #tpu.pipeline_mode<synchronous>, transform_indices = @transform_2, window_bounds = array<i64: 2, 1024>}, {pipeline_mode = #tpu.pipeline_mode<synchronous>, transform_indices = @transform_3, window_bounds = array<i64: 384, 1024>}, {pipeline_mode = #tpu.pipeline_mode<synchronous>, transform_indices = @transform_4, window_bounds = array<i64: 1, 1024>}, {pipeline_mode = #tpu.pipeline_mode<synchronous>, transform_indices = @transform_5, window_bounds = array<i64: 1, 1024>}, {pipeline_mode = #tpu.pipeline_mode<synchronous>, transform_indices = @transform_6, window_bounds = array<i64: 1, 1024>}, {transform_indices = @transform_7, window_bounds = array<i64: 1, 2048, 1024>}]} {
    %eq3A = arith.constant 0 : i32
    %eq3A_0 = arith.cmpi eq, %arg0, %eq3A : i32
    %convert_element_type3A = arith.extui %eq3A_0 : i1 to i32
    %cond3A = arith.constant 0 : i32
    %cond3A_1 = arith.cmpi ne, %convert_element_type3A, %cond3A : i32
    scf.if %cond3A_1 {
      %get3A_31 = arith.constant 0 : index
      %get3A_32 = arith.constant 0 : index
      %get3A_33 = vector.load %arg6[%get3A_31, %get3A_32] : memref<1x1024xf32, #tpu.memory_space<vmem>>, vector<1x1024xf32>
      %get3A_34 = arith.constant 0 : index
      %get3A_35 = arith.constant 0 : index
      %get3A_36 = vector.load %arg2[%get3A_34, %get3A_35] : memref<2048x1024xf32, #tpu.memory_space<vmem>>, vector<2048x1024xf32>
      %get3A_37 = arith.constant 0 : index
      %get3A_38 = arith.constant 0 : index
      %get3A_39 = vector.load %arg3[%get3A_37, %get3A_38] : memref<2x1024xf32, #tpu.memory_space<vmem>>, vector<1x1024xf32>
      %add3A_40 = vector.broadcast %get3A_39 : vector<1x1024xf32> to vector<2048x1024xf32>
      %add3A_41 = arith.addf %get3A_36, %add3A_40 : vector<2048x1024xf32>
      %get3A_42 = arith.constant 0 : index
      %get3A_43 = arith.constant 0 : index
      %get3A_44 = vector.load %arg5[%get3A_42, %get3A_43] : memref<1x1024xf32, #tpu.memory_space<vmem>>, vector<1x1024xf32>
      %add3A_45 = vector.broadcast %get3A_44 : vector<1x1024xf32> to vector<2048x1024xf32>
      %add3A_46 = arith.addf %add3A_41, %add3A_45 : vector<2048x1024xf32>
      %mul3A = vector.broadcast %get3A_33 : vector<1x1024xf32> to vector<2048x1024xf32>
      %mul3A_47 = arith.mulf %mul3A, %add3A_46 : vector<2048x1024xf32>
      %get3A_48 = arith.constant 0 : index
      %get3A_49 = arith.constant 0 : index
      %get3A_50 = vector.load %arg7[%get3A_48, %get3A_49] : memref<1x1024xf32, #tpu.memory_space<vmem>>, vector<1x1024xf32>
      %add3A_51 = vector.broadcast %get3A_50 : vector<1x1024xf32> to vector<2048x1024xf32>
      %add3A_52 = arith.addf %mul3A_47, %add3A_51 : vector<2048x1024xf32>
      %swap3A_53 = arith.constant 0 : index
      %swap3A_54 = arith.constant 0 : index
      %swap3A_55 = vector.load %arg9[%swap3A_53, %swap3A_54] : memref<2048x1024xf32, #tpu.memory_space<vmem>>, vector<2048x1024xf32>
      tpu.vector_store %arg9[%swap3A_53, %swap3A_54], %add3A_52 {strides = array<i32>} : memref<2048x1024xf32, #tpu.memory_space<vmem>>, vector<2048x1024xf32>,
    } else {
    }
    %get3A = arith.constant 0 : index
    %get3A_2 = arith.constant 0 : index
    %get3A_3 = arith.constant 0 : index
    %get3A_4 = vector.load %arg1[%get3A, %get3A_2, %get3A_3] : memref<1x2048x128xf32, #tpu.memory_space<vmem>>, vector<1x2048x128xf32>
    %get3A_5 = vector.shape_cast %get3A_4 : vector<1x2048x128xf32> to vector<2048x128xf32>
    %convert_element_type3A_6 = arith.truncf %get3A_5 : vector<2048x128xf32> to vector<2048x128xbf16>
    %iota3A = tpu.iota {dimensions = array<i32: 0>} : vector<2048x128xi32>
    %lt3A = arith.constant 2047 : i32
    %lt3A_7 = vector.broadcast %lt3A : i32 to vector<2048x128xi32>
    %lt3A_8 = arith.cmpi slt, %iota3A, %lt3A_7 : vector<2048x128xi32>
    %slice3A = vector.extract_strided_slice %convert_element_type3A_6 {offsets = [1, 0], sizes = [2047, 128], strides = [1, 1]} : vector<2048x128xbf16> to vector<2047x128xbf16>
    %slice3A_9 = vector.extract_strided_slice %convert_element_type3A_6 {offsets = [0, 0], sizes = [1, 128], strides = [1, 1]} : vector<2048x128xbf16> to vector<1x128xbf16>
    %concatenate3A = tpu.concatenate %slice3A, %slice3A_9 in 0 : vector<2047x128xbf16>, vector<1x128xbf16> -> vector<2048x128xbf16>
    %jit3A = arith.constant 0.000000e+00 : bf16
    %broadcast_in_dim3A = vector.broadcast %jit3A : bf16 to vector<2048x128xbf16>
    %select_n3A = arith.select %lt3A_8, %concatenate3A, %broadcast_in_dim3A : vector<2048x128xi1>, vector<2048x128xbf16>
    %gt3A = arith.constant 0 : i32
    %gt3A_10 = vector.broadcast %gt3A : i32 to vector<2048x128xi32>
    %gt3A_11 = arith.cmpi sgt, %iota3A, %gt3A_10 : vector<2048x128xi32>
    %slice3A_12 = vector.extract_strided_slice %convert_element_type3A_6 {offsets = [2047, 0], sizes = [1, 128], strides = [1, 1]} : vector<2048x128xbf16> to vector<1x128xbf16>
    %slice3A_13 = vector.extract_strided_slice %convert_element_type3A_6 {offsets = [0, 0], sizes = [2047, 128], strides = [1, 1]} : vector<2048x128xbf16> to vector<2047x128xbf16>
    %concatenate3A_14 = tpu.concatenate %slice3A_12, %slice3A_13 in 0 : vector<1x128xbf16>, vector<2047x128xbf16> -> vector<2048x128xbf16>
    %jit3A_15 = arith.constant 0.000000e+00 : bf16
    %broadcast_in_dim3A_16 = vector.broadcast %jit3A_15 : bf16 to vector<2048x128xbf16>
    %select_n3A_17 = arith.select %gt3A_11, %concatenate3A_14, %broadcast_in_dim3A_16 : vector<2048x128xi1>, vector<2048x128xbf16>
    %concatenate3A_18 = tpu.concatenate %select_n3A, %convert_element_type3A_6, %select_n3A_17 in 1 : vector<2048x128xbf16>, vector<2048x128xbf16>, vector<2048x128xbf16> -> vector<2048x384xbf16>
    %get3A_19 = arith.constant 0 : index
    %get3A_20 = arith.constant 0 : index
    %get3A_21 = vector.load %arg4[%get3A_19, %get3A_20] : memref<384x1024xbf16, #tpu.memory_space<vmem>>, vector<384x1024xbf16>
    %dot_general3A = arith.constant dense<0.000000e+00> : vector<2048x1024xf32>
    %dot_general3A_22 = tpu.matmul %concatenate3A_18, %get3A_21, %dot_general3A {dimension_numbers = #tpu.dot_dimension_numbers<[1], [0], [0], [1], [0, 0, 1, 1], [], []>, transpose_lhs_hint = false} : vector<2048x384xbf16>, vector<384x1024xbf16>, vector<2048x1024xf32> -> vector<2048x1024xf32>
    %get3A_23 = arith.constant 0 : index
    %get3A_24 = arith.constant 0 : index
    %get3A_25 = vector.load %arg9[%get3A_23, %get3A_24] : memref<2048x1024xf32, #tpu.memory_space<vmem>>, vector<2048x1024xf32>
    %add3A = arith.addf %dot_general3A_22, %get3A_25 : vector<2048x1024xf32>
    %swap3A = arith.constant 0 : index
    %swap3A_26 = arith.constant 0 : index
    %swap3A_27 = arith.constant 0 : index
    %swap3A_28 = vector.load %arg8[%swap3A, %swap3A_26, %swap3A_27] : memref<1x2048x1024xf32, #tpu.memory_space<vmem>>, vector<1x2048x1024xf32>
    %swap3A_29 = vector.shape_cast %swap3A_28 : vector<1x2048x1024xf32> to vector<2048x1024xf32>
    %swap3A_30 = vector.shape_cast %add3A : vector<2048x1024xf32> to vector<1x2048x1024xf32>
    tpu.vector_store %arg8[%swap3A, %swap3A_26, %swap3A_27], %swap3A_30 {strides = array<i32>} : memref<1x2048x1024xf32, #tpu.memory_space<vmem>>, vector<1x2048x1024xf32>,
    return
  }
  func.func @transform_0(%arg0: i32) -> (i32, i32, i32) {
    %c0_i32 = arith.constant 0 : i32
    %c0_i32_0 = arith.constant 0 : i32
    %c0_i32_1 = arith.constant 0 : i32
    return %arg0, %c0_i32, %c0_i32_0 : i32, i32, i32
  }
  func.func @transform_1(%arg0: i32) -> (i32, i32) {
    %c0_i32 = arith.constant 0 : i32
    %c0_i32_0 = arith.constant 0 : i32
    %c0_i32_1 = arith.constant 0 : i32
    return %c0_i32, %c0_i32_0 : i32, i32
  }
  func.func @transform_2(%arg0: i32) -> (i32, i32) {
    %c0_i32 = arith.constant 0 : i32
    %c0_i32_0 = arith.constant 0 : i32
    %c0_i32_1 = arith.constant 0 : i32
    return %c0_i32, %c0_i32_0 : i32, i32
  }
  func.func @transform_3(%arg0: i32) -> (i32, i32) {
    %c0_i32 = arith.constant 0 : i32
    %c0_i32_0 = arith.constant 0 : i32
    %c0_i32_1 = arith.constant 0 : i32
    return %c0_i32, %c0_i32_0 : i32, i32
  }
  func.func @transform_4(%arg0: i32) -> (i32, i32) {
    %c0_i32 = arith.constant 0 : i32
    %c0_i32_0 = arith.constant 0 : i32
    %c0_i32_1 = arith.constant 0 : i32
    return %c0_i32, %c0_i32_0 : i32, i32
  }
  func.func @transform_5(%arg0: i32) -> (i32, i32) {
    %c0_i32 = arith.constant 0 : i32
    %c0_i32_0 = arith.constant 0 : i32
    %c0_i32_1 = arith.constant 0 : i32
    return %c0_i32, %c0_i32_0 : i32, i32
  }
  func.func @transform_6(%arg0: i32) -> (i32, i32) {
    %c0_i32 = arith.constant 0 : i32
    %c0_i32_0 = arith.constant 0 : i32
    %c0_i32_1 = arith.constant 0 : i32
    return %c0_i32, %c0_i32_0 : i32, i32
  }
  func.func @transform_7(%arg0: i32) -> (i32, i32, i32) {
    %c0_i32 = arith.constant 0 : i32
    %c0_i32_0 = arith.constant 0 : i32
    %c0_i32_1 = arith.constant 0 : i32
    return %arg0, %c0_i32, %c0_i32_0 : i32, i32, i32
  }
}

</mosaic_0001>

<sc_bundles>
// kernel: kernel.4.cloned.1.call-start
scs
__scs_entry_jumppad:
0x0: {  	(pc) =	sbr.rel $0x88, $3  }
0x1: {  	(tag) =	ssettag $0x0;
	lr =	simm.s32 $0x1  }
0x2: {  	[smem:$0x3F99] =	sst lr;
	_ =	strace $0xD0000000  }
0x3: {  	_ = 	snop  }
0x4: {  	_ = 	snop  }
0x5: {  	_ = 	snop  }
0x6: {  	_ = 	snop  }
0x7: {  	_ = 	snop  }
__scs_overlays_trampoline_lowered:
0x8: {  	[smem:$0x3FA8] =	sst s0  }
0x9: {  	[smem:$0x3FA9] =	sst s1  }
0xa: {  	[smem:$0x3FAA] =	sst s2  }
0xb: {  	[smem:$0x3FAB] =	sst s3  }
0xc: {  	[smem:$0x3FAC] =	sst s4  }
0xd: {  	[smem:$0x3FAD] =	sst s5  }
0xe: {  	[smem:$0x3FAE] =	sst s6  }
0xf: {  	[smem:$0x3FAF] =	sst s7  }
0x10: {  	[smem:$0x3FB0] =	sst s8  }
0x11: {  	[smem:$0x3FB1] =	sst s9;
	s0 =	simm.s32 @!p0 $0x0  }
0x12: {  	s1 =	sld [smem:$0x3F97];
	s0 =	simm.s32 @p0 $0x1  }
0x13: {  	[smem:$0x3FB2] =	sst s0;
	s0 =	simm.s32 @!p1 $0x0  }
0x14: {  	s2 =	sld [smem:$0x3F96];
	s0 =	simm.s32 @p1 $0x1  }
0x15: {  	[smem:$0x3FB3] =	sst s0;
	s0 =	simm.s32 @!p2 $0x0  }
0x16: {  	s3 =	sld [smem:$0x3FDB];
	s0 =	simm.s32 @p2 $0x1  }
0x17: {  	s4 =	simm.s32 $0x1BF5;
	[smem:$0x3FB5] =	sst s0  }
0x18: {  	s0 =	sld [smem:$0x3F98];
	_ =	swait.ge [sflag:s4], $0x0  }
0x19: {  	s7 =	sld [smem:$0x3F99]  }
0x1a: {  	s8 =	sadd.s32 $0xFFFFE003, lr  }
0x1b: {  	s9 =	sadd.s32 $0xFFFFFEF7, lr;
	s5 =	simm.s32 $0xFFFFFFFF;
	p2 =	slt.u32 s8, $0xFFFFF086  }
0x1c: {  	p1 =	slt.u32 s9, $0xF7A;
	s5 =	simm.s32 @!p2 $0x0  }
0x1d: {  	s5 =	simm.s32 @p1 $0x1;
	p0 =	seq.s32 s7, s2  }
0x1e: {  	s7 =	smul.u32 @!p0 $0xF7A, s2;
	p2 =	seq.s32 @!p0 s5, $0x0  }
0x1f: {  	s9 =	smul.u32 $0xF7A, s1;
	s8 =	simm.s32 @!p0 $0x1BF5;
	p2 =	por !p2, p0  }
0x20: {  	[sflag:s8] =	ssyncset.s32 @!p0 $0xFFFFF086;
	s6 =	sadd.s32 @!p0 s3, s7;
	s7 =	simm.s32 @!p0 $0x108  }
0x21: {  	s3 =	sadd.s32 s3, s9;
	s6 =	sadd.s32 @!p0 $0x88, s6;
	s7 =	simm.s32 @p2 $0x1082  }
0x22: {  	[simem:s7], [sflag:s8] =	dma.local @!p0 [hbm:s6], $0xF7A  }
0x23: {  	s9 =	sor.u32 $0xD0000000, s2;
	s6 =	simm.s32 $0x108;
	_ =	swait.ge @!p0 [sflag:s8], $0x0  }
0x24: {  	s3 =	sadd.s32 $0x88, s3;
	s6 =	simm.s32 @!p1 $0x1082;
	[sflag:s4] =	ssyncset.s32 $0xFFFFF086  }
0x25: {  	[simem:s6], [sflag:s4] =	dma.local [hbm:s3], $0xF7A  }
0x26: {  	[smem:$0x3F99] =	sst s1;
	(tag) =	ssettag s2;
	_ =	strace s9  }
0x27: {  	s1 =	sld [smem:$0x3FA9]  }
0x28: {  	s2 =	sld [smem:$0x3FAA]  }
0x29: {  	s4 =	sld [smem:$0x3FAC]  }
0x2a: {  	p0 =	seq.s32 s5, $0x0;
	s5 =	sld [smem:$0x3FAD]  }
0x2b: {  	s6 =	sld [smem:$0x3FAE]  }
0x2c: {  	s7 =	sld [smem:$0x3FAF]  }
0x2d: {  	s3 =	simm.s32 $0x108;
	s8 =	sld [smem:$0x3FB0]  }
0x2e: {  	s3 =	simm.s32 @!p0 $0x1082;
	s9 =	sld [smem:$0x3FB1]  }
0x2f: {  	lr =	sadd.s32 s0, s3;
	s0 =	sld [smem:$0x3FA8]  }
0x30: {  	s3 =	sld [smem:$0x3FAB]  }
0x31: {  	[smem:$0x3FB4] =	sst s10  }
0x32: {  	s10 =	sld [smem:$0x3FB2];
	_ =	sdelay $0x3  }
0x33: {  	p0 =	seq.s32 s10, $0x1;
	s10 =	sld [smem:$0x3FB4];
	_ =	sdelay $0x3  }
0x34: {  	[smem:$0x3FB4] =	sst s10  }
0x35: {  	s10 =	sld [smem:$0x3FB3];
	_ =	sdelay $0x3  }
0x36: {  	p1 =	seq.s32 s10, $0x1;
	s10 =	sld [smem:$0x3FB4];
	_ =	sdelay $0x3  }
0x37: {  	[smem:$0x3FB4] =	sst s10  }
0x38: {  	s10 =	sld [smem:$0x3FB5]  }
0x39: {  	_ = 	snop;
	(pc) =	sbr.ind lr, $3  }
0x3a: {  	_ = 	snop  }
0x3b: {  	_ = 	snop  }
0x3c: {  	p2 =	seq.s32 s10, $0x1;
	s10 =	sld [smem:$0x3FB4]  }
0x3d: {  	_ =	shalt  }
0x3e: {  	_ =	shalt  }
0x3f: {  	_ =	shalt  }
0x40: {  	_ =	shalt  }
0x41: {  	_ =	shalt  }
0x42: {  	_ =	shalt  }
0x43: {  	_ =	shalt  }
0x44: {  	_ =	shalt  }
0x45: {  	_ =	shalt  }
0x46: {  	_ =	shalt  }
0x47: {  	_ =	shalt  }
0x48: {  	_ =	shalt  }
0x49: {  	_ =	shalt  }
0x4a: {  	_ =	shalt  }
0x4b: {  	_ =	shalt  }
0x4c: {  	_ =	shalt  }
0x4d: {  	_ =	shalt  }
0x4e: {  	_ =	shalt  }
0x4f: {  	_ =	shalt  }
0x50: {  	_ =	shalt  }
0x51: {  	_ =	shalt  }
0x52: {  	_ =	shalt  }
0x53: {  	_ =	shalt  }
0x54: {  	_ =	shalt  }
0x55: {  	_ =	shalt  }
0x56: {  	_ =	shalt  }
0x57: {  	_ =	shalt  }
0x58: {  	_ =	shalt  }
0x59: {  	_ =	shalt  }
0x5a: {  	_ =	shalt  }
0x5b: {  	_ =	shalt  }
0x5c: {  	_ =	shalt  }
0x5d: {  	_ =	shalt  }
0x5e: {  	_ =	shalt  }
0x5f: {  	_ =	shalt  }
0x60: {  	_ =	shalt  }
0x61: {  	_ =	shalt  }
0x62: {  	_ =	shalt  }
0x63: {  	_ =	shalt  }
0x64: {  	_ =	shalt  }
0x65: {  	_ =	shalt  }
0x66: {  	_ =	shalt  }
0x67: {  	_ =	shalt  }
0x68: {  	_ =	shalt  }
0x69: {  	_ =	shalt  }
0x6a: {  	_ =	shalt  }
0x6b: {  	_ =	shalt  }
0x6c: {  	_ =	shalt  }
0x6d: {  	_ =	shalt  }
0x6e: {  	_ =	shalt  }
0x6f: {  	_ =	shalt  }
0x70: {  	_ =	shalt  }
0x71: {  	_ =	shalt  }
0x72: {  	_ =	shalt  }
0x73: {  	_ =	shalt  }
0x74: {  	_ =	shalt  }
0x75: {  	_ =	shalt  }
0x76: {  	_ =	shalt  }
0x77: {  	_ =	shalt  }
0x78: {  	_ =	shalt  }
0x79: {  	_ =	shalt  }
0x7a: {  	_ =	shalt  }
0x7b: {  	_ =	shalt  }
0x7c: {  	_ =	shalt  }
0x7d: {  	_ =	shalt  }
0x7e: {  	_ =	shalt  }
0x7f: {  	_ =	shalt  }
0x80: {  	_ =	shalt  }
0x81: {  	_ =	shalt  }
0x82: {  	_ =	shalt  }
0x83: {  	_ =	shalt  }
0x84: {  	_ =	shalt  }
0x85: {  	_ =	shalt  }
0x86: {  	_ =	shalt  }
0x87: {  	_ =	shalt  }
.Lfunc_end0:
.L_simem_size_0:
called_computation_lowered:
.L_overlay_start_0:
0x88: {  	s2 =	sld [smem:$0x3FD9]  }
0x89: {  	s3 =	sld [smem:$0x3FFE];
	_ =	sdelay $0x1  }
0x8a: {  	s1 =	srdreg.scid  }
0x8b: {  	s0 =	sand.u32 $0x1, s1  }
0x8c: {  	s17 =	sshll.u32 s0, $0xA;
	s2 =	sadd.s32 s3, s2  }
0x8d: {  	s2 =	sadd.s32 s2, s17  }
0x8e: {  	[smem:$0x3FC0] =	sst s2  }
0x8f: {  	_ = 	snop  }
0x90: {  	s2 =	sld [smem:$0x3FC8]  }
0x91: {  	s18 =	sld [smem:$0x3FD0];
	(tm) =	ssettm $0x1  }
0x92: {  	s4 =	sld [smem:$0x3FFB];
	_ =	sdelay $0x3  }
0x93: {  	_ =	strace s4  }
0x94: {  	s4 =	sld [smem:$0x3FFC];
	_ =	sdelay $0x3  }
0x95: {  	_ =	strace s4  }
0x96: {  	s4 =	sld [smem:$0x3FFD];
	_ =	sdelay $0x3  }
0x97: {  	_ =	strace s4  }
0x98: {  	_ =	strace $0x8FFFFFFF  }
0x99: {  	s19 =	sld [smem:$0x3FDB];
	_ =	sdelay $0x1  }
0x9a: {  	s5 =	simm.s32 $_scs_section_size  }
0x9b: {  	s6 =	simm.s32 $_size__tile_overlayer_lowered;
	s7 =	simm.s32 $_tile_overlayer_lowered  }
0x9c: {  	s22 =	simm.s32 $0x1BFF;
	s21 =	sshll.u32 s7, $0x1;
	s4 =	sadd.s32 s5, s19  }
0x9d: {  	s8 =	simm.s32 $0x0;
	s20 =	sshll.u32 s6, $0x1;
	s6 =	sadd.s32 s21, s4  }
0x9e: {  	[timem:s8], [sflag:s22] =	dma.local [hbm:s6], s20  }
0x9f: {  	_ =	swait.ge [sflag:s22], s20  }
0xa0: {  	s5 =	ssub.s32 $0x0, s20;
	[sflag:s22] =	ssyncset.done $0x0  }
0xa1: {  	[sflag:s22] =	ssyncadd.s32 s5;
	_ =	sdelay $0x1  }
0xa2: {  	s23 =	simm.s32 $0x1B8B  }
0xa3: {  	_ =	swait.ge [sflag:s23], $0x1  }
0xa4: {  	[sflag:s23] =	ssyncset.done $0x0  }
0xa5: {  	s25 =	simm.s32 $0x1B8E;
	s24 =	sld [smem:$0x3FFE];
	[sflag:s23] =	ssyncadd.s32 $0xFFFFFFFF  }
0xa6: {  	s26 =	simm.s32 $execute0_lowered;
	[smem:$0x3FD2] =	sst s25  }
0xa7: {  	s6 =	sshll.u32 s26, $0x1;
	_ =	strace $0x80000046;
	[dreg:$0x1] =	wrdreg $0xFFFFFFFF  }
0xa8: {  	s28 =	simm.s32 $_size_execute0_lowered;
	s4 =	sadd.s32 s4, s6;
	[dreg:$0x0] =	wrdreg $0x0  }
0xa9: {  	s6 =	sshll.u32 s28, $0x1;
	[dreg:$0x2] =	wrdreg s4  }
0xaa: {  	[dreg:$0x3] =	wrdreg s6  }
0xab: {  	[dreg:$0x4] =	wrdreg $0xC0  }
0xac: {  	_ =	task [dreg:s8], $0x5FFFF  }
0xad: {  	[dreg:$0x1] =	wrdreg $0xFFFFFFFF  }
0xae: {  	[dreg:$0x0] =	wrdreg $0x60  }
0xaf: {  	[dreg:$0x2] =	wrdreg s24  }
0xb0: {  	[dreg:$0x3] =	wrdreg s2  }
0xb1: {  	[dreg:$0x4] =	wrdreg s18  }
0xb2: {  	[dreg:$0x5] =	wrdreg $0x9  }
0xb3: {  	_ =	task.clear_ibuf [dreg:s8], $0x6FFFF;
	_ =	strace $0x90000046  }
0xb4: {  	s29 =	simm.s32 $0x9;
	_ =	strace $0x80000048  }
0xb5: {  	_ =	swait.ge [sflag:s29], $0x1  }
0xb6: {  	[sflag:s29] =	ssyncadd.s32 $0xFFFFFFFF  }
0xb7: {  	_ =	strace $0x90000048  }
0xb8: {  	_ =	sfence  }
0xb9: {  	s30 =	sld [smem:$0x0];
	_ =	sdelay $0x2  }
0xba: {  	s31 =	sshll.u32 s1, $0xD;
	s1 =	sshrl.u32 s1, $0x2  }
0xbb: {  	s3 =	sand.u32 $0x4000, s31;
	s1 =	sadd.s32 s1, s30  }
0xbc: {  	s0 =	sor.u32 s3, s0;
	s1 =	sshll.u32 s1, $0x11  }
0xbd: {  	s0 =	sor.u32 s1, s0  }
0xbe: {  	s0 =	sadd.s32 $0x8F2B, s0  }
0xbf: {  	[sflag:s0] =	ssyncadd.remote.s32 $0x1  }
0xc0: {  	_ =	sfence.sel $0xFFFF  }
0xc1: {  	[dreg:$0x0] =	wrdreg $0xFFFFFFFF;
	(pc) =	sbr.abs _section_cstart, $3  }
0xc2: {  	[dreg:$0x1] =	wrdreg $0xFFFFFFFF  }
0xc3: {  	_ =	task.clear_ibuf [dreg:s8], $0x2FFFF;
	_ =	strace $0x9FFFFFFF  }
0xc4: {  	(tm) =	ssettm $0x7FFFFFFF  }
0xc5: {  	_ =	shalt  }
tec
execute0_lowered:
.L_overlay_start_1:
0x0: {  	(tag) =	ssettag $0x1  }
0x1: {  	s1 =	srdreg.scid  }
0x2: {  	s4 =	rddreg [dreg:$0x0];
	s0 =	stileid.u32;
	s12 =	sand.u32 $0x1, s1  }
0x3: {  	s2 =	rddreg [dreg:$0x1];
	s31 =	sshll.u32 s0, $0x9;
	s3 =	sshll.u32 s12, $0x8  }
0x4: {  	s10 =	rddreg [dreg:$0x2];
	s11 =	sor.u32 s3, s31  }
0x5: {  	s1 =	rddreg [dreg:$0x3];
	s3 =	simm.s32 $0x0;
	s5 =	sshrl.u32 s11, $0x3  }
0x6: {  	[smem:$0x7FF] =	sst s3;
	s4 =	sadd.s32 s5, s4  }
0x7: {  	_ =	strace $0x80000047;
	s5 =	simm.s32 $0x4;
	s4 =	sadd.s32 $0x1800, s4  }
0x8: {  	[tilespmem:s3], [sflag:$0x4] =	stream.linear.gather [hbm4b:s4+s3], $0x100, $0x38;
	[tilespmem:$0x8100] =	vst v63  }
0x9: {  	_ =	swait.ge [sflag:s5], $0x100  }
0xa: {  	[sflag:s5] =	ssyncset.done $0x0  }
0xb: {  	s6 =	simm.s32 $0x80;
	s7 =	simm.s32 $0x100;
	[sflag:s5] =	ssyncadd.s32 $0xFFFFFF00  }
0xc: {  	[tilespmem:s7], [sflag:$0x1] =	stream.indirect.gather [hbm4b:s2+s6], $0x80, s3, s6, $0xb8;
	[tilespmem:$0x8100] =	vst v63  }
0xd: {  	s8 =	simm.s32 $0x4100;
	s9 =	simm.s32 $0x1  }
0xe: {  	[tilespmem:s8], [sflag:$0x2] =	stream.indirect.gather [hbm4b:s2+s6], $0x80, s6, s6, $0xb8;
	[tilespmem:$0x8100] =	vst v63  }
0xf: {  	s14 =	ssub.s32 $0x2, s12;
	_ =	swait.ge [sflag:s9], $0x4000  }
0x10: {  	s15 =	sshrl.u32 s14, $0x1;
	s11 =	sshll.u32 s11, $0x4;
	[sflag:s9] =	ssyncset.done $0x0  }
0x11: {  	s10 =	sadd.s32 s10, s11;
	s11 =	simm.s32 $0x2;
	[sflag:s9] =	ssyncadd.s32 $0xFFFFC000  }
0x12: {  	[hbm4b:s10+s3] =	stream.linear.scatter [tilespmem:s7], [sflag:$0x3], $0x4000, $0x38;
	[tilespmem:$0x8100] =	vst v63  }
0x13: {  	s14 =	ssub.s32 s14, s15;
	_ =	swait.ge [sflag:s11], $0x4000  }
0x14: {  	s12 =	simm.s32 $0x3;
	s14 =	smax.u32 s14, $0x1;
	[sflag:s11] =	ssyncset.done $0x0  }
0x15: {  	s13 =	sadd.s32 $0x800, s10;
	p0 =	sne.s32 s14, $0x1;
	[sflag:s11] =	ssyncadd.s32 $0xFFFFC000  }
0x16: {  	[hbm4b:s13+s3] =	stream.linear.scatter [tilespmem:s8], [sflag:$0x3], $0x4000, $0x38;
	[tilespmem:$0x8100] =	vst v63  }
.Ltmp0:
0x17: {  	_ =	swait.ge [sflag:s12], $0x4000;
	(pc) =	sbr.rel @!p0 .LBB2_2-.Ltmp0, $4  }
0x18: {  	[sflag:s12] =	ssyncset.done $0x0  }
0x19: {  	[sflag:s12] =	ssyncadd.s32 $0xFFFFC000  }
0x1a: {  	_ =	swait.ge [sflag:s12], $0x4000  }
0x1b: {  	s14 =	sadd.s32 $0xFFFFFFFF, s14;
	[sflag:s12] =	ssyncset.done $0x0  }
.LBB2_1:
0x1c: {  	p0 =	sne.s32 s14, $0x1;
	s14 =	sadd.s32 $0xFFFFFFFF, s14;
	[sflag:s12] =	ssyncadd.s32 $0xFFFFC000  }
0x1d: {  	[tilespmem:s3], [sflag:$0x4] =	stream.linear.gather [hbm4b:s4+s3], $0x100, $0x38;
	[tilespmem:$0x8100] =	vst v63  }
0x1e: {  	_ =	swait.ge [sflag:s5], $0x100  }
0x1f: {  	[sflag:s5] =	ssyncset.done $0x0  }
0x20: {  	[sflag:s5] =	ssyncadd.s32 $0xFFFFFF00  }
0x21: {  	[tilespmem:s7], [sflag:$0x1] =	stream.indirect.gather [hbm4b:s2+s6], $0x80, s3, s6, $0xb8;
	[tilespmem:$0x8100] =	vst v63  }
0x22: {  	_ = 	snop  }
0x23: {  	[tilespmem:s8], [sflag:$0x2] =	stream.indirect.gather [hbm4b:s2+s6], $0x80, s6, s6, $0xb8;
	[tilespmem:$0x8100] =	vst v63  }
0x24: {  	_ =	swait.ge [sflag:s9], $0x4000  }
0x25: {  	[sflag:s9] =	ssyncset.done $0x0  }
0x26: {  	[sflag:s9] =	ssyncadd.s32 $0xFFFFC000  }
0x27: {  	[hbm4b:s10+s3] =	stream.linear.scatter [tilespmem:s7], [sflag:$0x3], $0x4000, $0x38;
	[tilespmem:$0x8100] =	vst v63  }
0x28: {  	_ =	swait.ge [sflag:s11], $0x4000  }
0x29: {  	[sflag:s11] =	ssyncset.done $0x0  }
0x2a: {  	[sflag:s11] =	ssyncadd.s32 $0xFFFFC000  }
0x2b: {  	[hbm4b:s13+s3] =	stream.linear.scatter [tilespmem:s8], [sflag:$0x3], $0x4000, $0x38;
	[tilespmem:$0x8100] =	vst v63  }
.Ltmp1:
0x2c: {  	_ =	swait.ge [sflag:s12], $0x4000;
	(pc) =	sbr.rel @p0 .LBB2_1-.Ltmp1, $4  }
0x2d: {  	[sflag:s12] =	ssyncset.done $0x0  }
0x2e: {  	[sflag:s12] =	ssyncadd.s32 $0xFFFFC000  }
0x2f: {  	_ =	swait.ge [sflag:s12], $0x4000  }
0x30: {  	[sflag:s12] =	ssyncset.done $0x0  }
.LBB2_2:
0x31: {  	[sflag:s12] =	ssyncadd.s32 $0xFFFFC000  }
0x32: {  	_ =	sfence.sel $0x180000  }
0x33: {  	[bflag:$0x0] =	sbarrier.arrive $0xFFFF  }
0x34: {  	p0 =	sne.s32 s0, $0x0;
	_ =	strace $0x90000047  }
0x35: {  	s0 =	sadd.s32 @!p0 $0x100000, s1;
	[bflag:$0x2] =	sbarrier.arrive $0xFFFF  }
0x36: {  	[sflag:s0] =	ssyncadd.tile.s32 @!p0 $0x1;
	_ =	shalt  }
.Lfunc_end2:
_tile_overlayer_lowered:
.L_overlay_start_2:
0x37: {  	(tag) =	ssettag $0x2  }
0x38: {  	s0 =	rddreg [dreg:$0x0];
	s2 =	stileid.u32  }
0x39: {  	s1 =	rddreg [dreg:$0x1];
	p0 =	sne.s32 s2, $0x0  }
0x3a: {  	s3 =	rddreg [dreg:$0x2];
	[bflag:$0x3] =	sbarrier.arrive $0xFFFF;
	s2 =	simm.s32 @!p0 $0x1C04  }
0x3b: {  	[timem:s3], [sflag:s2] =	dma.local @!p0 [hbm:s0], s1  }
0x3c: {  	s0 =	simm.s32 @!p0 $0x4  }
0x3d: {  	_ =	swait.ge @!p0 [sflag:s0], s1  }
0x3e: {  	s1 =	ssub.s32 @!p0 $0x0, s1;
	[sflag:s0] =	ssyncset.done @!p0 $0x0  }
0x3f: {  	[sflag:s0] =	ssyncadd.s32 @!p0 s1  }
0x40: {  	[bflag:$0x3] =	sbarrier.arrive $0xFFFF  }
0x41: {  	_ =	shalt  }

</sc_bundles>
